<compile_context>
chip_gen: v7x
topology: tpu7x:2x2x1
jax: 0.10.2.dev20260603
libtpu: 0.0.44.dev20260713+nightly
codegen_flags: <defaults>
</compile_context>

<pallas_src>
import functools

import numpy as np
import jax
import jax.numpy as jnp
from jax import lax
from jax.experimental import pallas as pl
from jax.experimental.pallas import tpu as pltpu
from jax.experimental.pallas import tpu_sc as plsc

VOCAB = 100000
D = 2048
SEQ = 2048
K = 4
B_BITS = 16
SEED = 42
PRIOR = 5

ROWS = 16
LANES = 128
NROW = 784
VPAD = NROW * LANES

_rng = np.random.default_rng(0)
HASH_IDX = int(_rng.integers(0, K))
np.random.seed(HASH_IDX + K * SEED)
RAND_VECS = np.random.randn(B_BITS, D).astype(np.float32)


def _threefry2x32(k0, k1, x0, x1):
    ks2 = k0 ^ k1 ^ jnp.uint32(0x1BD11BDA)
    ks = (k0, k1, ks2)
    x0 = x0 + ks[0]
    x1 = x1 + ks[1]
    rots = ((13, 15, 26, 6), (17, 29, 16, 24))
    for i in range(5):
        for r in rots[i % 2]:
            x0 = x0 + x1
            x1 = (x1 << r) | (x1 >> (32 - r))
            x1 = x1 ^ x0
        x0 = x0 + ks[(i + 1) % 3]
        x1 = x1 + ks[(i + 2) % 3] + jnp.uint32(i + 1)
    return x0, x1


@functools.cache
def _make_sc_gather():
    mesh = plsc.VectorSubcoreMesh(core_axis_name="c", subcore_axis_name="s")

    @functools.partial(
        pl.kernel,
        mesh=mesh,
        out_type=jax.ShapeDtypeStruct((ROWS, D), jnp.float32),
        scratch_types=[
            pltpu.VMEM((ROWS,), jnp.int32),
            pltpu.VMEM((ROWS, D), jnp.float32),
            pltpu.SemaphoreType.DMA,
        ],
    )
    def _sc_gather(ids_hbm, table_hbm, out_hbm, idx_v, rows_v, sem):
        wid = lax.axis_index("s") * 2 + lax.axis_index("c")

        @pl.when(wid == 0)
        def _():
            pltpu.sync_copy(ids_hbm.at[0, pl.ds(SEQ - ROWS, ROWS)], idx_v)
            pltpu.async_copy(table_hbm.at[idx_v], rows_v, sem).wait()
            pltpu.sync_copy(rows_v, out_hbm)

    return _sc_gather


SUBL = 8
LN = VOCAB // SUBL


def _tc_body(rows_ref, logits_ref, rv_ref, out_ref):
    rows = rows_ref[...]
    rsel = lax.broadcasted_iota(jnp.int32, (ROWS, 1), 0) >= (ROWS - PRIOR)
    vsum = jnp.sum(jnp.where(rsel, rows, 0.0), axis=0, keepdims=True)
    mean = vsum / np.float32(PRIOR)

    proj = jnp.sum(rv_ref[...] * mean, axis=1, keepdims=True)
    powers = jnp.int32(1) << lax.broadcasted_iota(jnp.int32, (B_BITS, 1), 0)
    code = jnp.sum(jnp.where(proj > 0, powers, 0)).astype(jnp.uint32)

    hk0, hk1 = _threefry2x32(
        jnp.uint32(0), jnp.uint32(SEED), jnp.uint32(0), code)

    row = lax.broadcasted_iota(jnp.int32, (SUBL, LN), 0)
    col = lax.broadcasted_iota(jnp.int32, (SUBL, LN), 1)
    v = row * LN + col
    b0, b1 = _threefry2x32(hk0, hk1, jnp.uint32(0), v.astype(jnp.uint32))
    bits = b0 ^ b1
    f = lax.bitcast_convert_type(
        (bits >> 9) | jnp.uint32(0x3F800000), jnp.float32) - 1.0
    xi = jnp.maximum(np.float32(1e-12),
                     f * np.float32(1.0 - 1e-12) + np.float32(1e-12))

    l1 = logits_ref[...]
    lp = jnp.concatenate([l1[:, i * LN:(i + 1) * LN] for i in range(SUBL)],
                         axis=0)
    m = jnp.max(lp)
    c = -jnp.log(xi) * jnp.exp(m - lp)
    cmin = jnp.min(c)
    tok = jnp.min(jnp.where(c == cmin, v, jnp.int32(VOCAB)))

    col1 = lax.broadcasted_iota(jnp.int32, (1, VOCAB), 1)
    out_ref[...] = jnp.where(col1 == tok, np.float32(100000.0),
                             np.float32(-100000.0))


def kernel(input_ids, logits, embed_table):
    ids32 = input_ids.astype(jnp.int32)
    rows = _make_sc_gather()(ids32, embed_table)

    return pl.pallas_call(
        _tc_body,
        out_shape=jax.ShapeDtypeStruct((1, VOCAB), jnp.float32),
    )(rows, logits, jnp.asarray(RAND_VECS))

# --- scband reference (transcript-rebuilt; emitter-appended) ---
"""Pipeline reference for scband-sim-mark-processor-77876347011561 (READ-ONLY COPY).

The authoritative reference and input builder live on the scoring server;
editing this copy changes nothing except your own understanding.
"""

import jax, jax.numpy as jnp
import numpy as np

VOCAB = 100000
D = 2048
SEQ = 2048
K = 4
B_BITS = 16
SEED = 42
PRIOR = 5


def setup_inputs(seed: int = 0) -> dict:
    key = jax.random.key(seed)
    k1, k2, k3 = jax.random.split(key, 3)
    input_ids = jax.random.randint(k1, (1, SEQ), 0, VOCAB)
    logits = jax.random.normal(k2, (1, VOCAB), dtype=jnp.float32)
    # learned parameter: the model's token-embedding table (model.model.decoder.embed_tokens)
    embed_table = jax.random.normal(k3, (VOCAB, D), dtype=jnp.float32) * 0.02
    return {"input_ids": input_ids, "logits": logits, "embed_table": embed_table}


def reference(input_ids, logits, embed_table):
    # embeddings = embed_tokens(input_ids).squeeze(0)  -> gather
    embeddings = jnp.take(embed_table, input_ids[0], axis=0)  # [SEQ, D]
    # mean of last `prior_tokens` embeddings
    input_vector = jnp.mean(embeddings[-PRIOR:], axis=0)  # [D]
    # hash_idx = np.random.randint(0, k); made deterministic for reproducibility
    rng = np.random.default_rng(0)
    hash_idx = int(rng.integers(0, K))
    # simhash: random projection matrix seeded by (hash_idx + k*seed)
    np.random.seed(hash_idx + K * SEED)
    random_vectors = jnp.asarray(np.random.randn(B_BITS, D), dtype=jnp.float32)
    projections = random_vectors @ input_vector  # [B_BITS]
    binary = (projections > 0).astype(jnp.uint32)
    # sha256-of-bits replaced by a JAX-traceable hash: pack bits -> fold_in
    powers = jnp.asarray(2 ** np.arange(B_BITS, dtype=np.uint32))
    code = jnp.sum(binary * powers)
    hkey = jax.random.fold_in(jax.random.key(SEED), code)
    # xi = np.random.rand(vocab_size) seeded by the simhash digest
    xi = jax.random.uniform(hkey, (VOCAB,), dtype=jnp.float32, minval=1e-12, maxval=1.0)
    probs = jax.nn.softmax(logits[0], axis=-1)
    # Gumbel/exponential-minimum sampling: argmin(-log(xi)/probs)
    next_token = jnp.argmin(-jnp.log(xi) / probs)
    out = jnp.full_like(logits, -100000.0)
    out = out.at[0, next_token].set(100000.0)
    return out

if __name__ == "__main__":
    import jax
    _d = setup_inputs()
    print(jax.jit(kernel)(*tuple(_d.values())))

</pallas_src>

<mosaic_0001>
#map = affine_map<(d0, d1) -> (0, 0)>
module attributes {stable_mosaic.version = 14 : i64} {
  func.func @_sc_gather(%arg0: i32, %arg1: i32, %arg2: memref<1x2048xi32, #tpu.memory_space<hbm>>, %arg3: memref<100000x2048xf32, #tpu.memory_space<hbm>>, %arg4: memref<16x2048xf32, #tpu.memory_space<hbm>>, %arg5: memref<16xi32, #tpu.memory_space<vmem>>, %arg6: memref<16x2048xf32, #tpu.memory_space<vmem>>, %arg7: memref<!tpu.dma_semaphore, #tpu.memory_space<semaphore_mem>>) attributes {dimension_semantics = [#tpu.dimension_semantics<core_parallel>, #tpu.dimension_semantics<subcore_parallel>], iteration_bounds = array<i64: 2, 16>, scalar_prefetch = 0 : i64, scratch_operands = 3 : i64, tpu.core_type = #tpu.core_type<sc_vector_subcore>, window_params = [{transform_indices = #map}, {transform_indices = #map}, {transform_indices = #map}]} {
    %mul3A = arith.constant 2 : i32
    %mul3A_0 = arith.muli %arg1, %mul3A : i32
    %add3A = arith.addi %mul3A_0, %arg0 : i32
    %eq3A = arith.constant 0 : i32
    %eq3A_1 = arith.cmpi eq, %add3A, %eq3A : i32
    %convert_element_type3A = arith.extui %eq3A_1 : i1 to i32
    %cond3A = arith.constant 0 : i32
    %cond3A_2 = arith.cmpi ne, %convert_element_type3A, %cond3A : i32
    scf.if %cond3A_2 {
      %run_scoped3A = arith.constant 0 : i32
      "tpu.region"() ({
        %run_scoped3A_7 = tpu.sem_alloc : memref<!tpu.dma_semaphore, #tpu.memory_space<semaphore_mem>>
        %dma_start3A_8 = arith.constant 2032 : i32
        %dma_start3A_9 = tpu.memref_slice %arg2[%run_scoped3A, %dma_start3A_8] : memref<1x2048xi32, #tpu.memory_space<hbm>> -> memref<1x16xi32, #tpu.memory_space<hbm>>
        %dma_start3A_10 = tpu.memref_squeeze %dma_start3A_9 : memref<1x16xi32, #tpu.memory_space<hbm>> -> memref<16xi32, #tpu.memory_space<hbm>>
        %dma_start3A_11 = arith.constant 2032 : i32
        %dma_start3A_12 = tpu.memref_slice %arg2[%run_scoped3A, %dma_start3A_11] : memref<1x2048xi32, #tpu.memory_space<hbm>> -> memref<1x16xi32, #tpu.memory_space<hbm>>
        %dma_start3A_13 = tpu.memref_squeeze %dma_start3A_12 : memref<1x16xi32, #tpu.memory_space<hbm>> -> memref<16xi32, #tpu.memory_space<hbm>>
        tpu.enqueue_dma source(%dma_start3A_13 : memref<16xi32, #tpu.memory_space<hbm>>) target(%arg5 : memref<16xi32, #tpu.memory_space<vmem>>) target_semaphore(%run_scoped3A_7 : memref<!tpu.dma_semaphore, #tpu.memory_space<semaphore_mem>>)
        %dma_wait3A_14 = arith.constant 2032 : i32
        %dma_wait3A_15 = tpu.memref_slice %arg2[%run_scoped3A, %dma_wait3A_14] : memref<1x2048xi32, #tpu.memory_space<hbm>> -> memref<1x16xi32, #tpu.memory_space<hbm>>
        %dma_wait3A_16 = tpu.memref_squeeze %dma_wait3A_15 : memref<1x16xi32, #tpu.memory_space<hbm>> -> memref<16xi32, #tpu.memory_space<hbm>>
        %dma_wait3A_17 = arith.constant 2032 : i32
        %dma_wait3A_18 = tpu.memref_slice %arg2[%run_scoped3A, %dma_wait3A_17] : memref<1x2048xi32, #tpu.memory_space<hbm>> -> memref<1x16xi32, #tpu.memory_space<hbm>>
        %dma_wait3A_19 = tpu.memref_squeeze %dma_wait3A_18 : memref<1x16xi32, #tpu.memory_space<hbm>> -> memref<16xi32, #tpu.memory_space<hbm>>
        tpu.wait_dma2 semaphore(%run_scoped3A_7 : memref<!tpu.dma_semaphore, #tpu.memory_space<semaphore_mem>>) src(%dma_wait3A_19 : memref<16xi32, #tpu.memory_space<hbm>>) dst(%arg5 : memref<16xi32, #tpu.memory_space<vmem>>)
        tpu.yield
      }) : () -> ()
      %dma_start3A = arith.constant 0 : i32
      %dma_start3A_3 = arith.constant 0 : i32
      %dma_start3A_4 = tpu.memref_slice %arg3[%dma_start3A, %dma_start3A_3] : memref<100000x2048xf32, #tpu.memory_space<hbm>> -> memref<100000x2048xf32, #tpu.memory_space<hbm>>
      tpu.enqueue_indirect_dma source(%dma_start3A_4 : memref<100000x2048xf32, #tpu.memory_space<hbm>>) target(%arg6 : memref<16x2048xf32, #tpu.memory_space<vmem>>) offsets(%arg5 : memref<16xi32, #tpu.memory_space<vmem>>) semaphore(%arg7 : memref<!tpu.dma_semaphore, #tpu.memory_space<semaphore_mem>>)
      %dma_wait3A = arith.constant 0 : i32
      %dma_wait3A_5 = arith.constant 0 : i32
      %dma_wait3A_6 = tpu.memref_slice %arg3[%dma_wait3A, %dma_wait3A_5] : memref<100000x2048xf32, #tpu.memory_space<hbm>> -> memref<100000x2048xf32, #tpu.memory_space<hbm>>
      tpu.wait_indirect_dma semaphore(%arg7 : memref<!tpu.dma_semaphore, #tpu.memory_space<semaphore_mem>>) src(%dma_wait3A_6 : memref<100000x2048xf32, #tpu.memory_space<hbm>>) dst(%arg6 : memref<16x2048xf32, #tpu.memory_space<vmem>>)
      "tpu.region"() ({
        %run_scoped3A_7 = tpu.sem_alloc : memref<!tpu.dma_semaphore, #tpu.memory_space<semaphore_mem>>
        tpu.enqueue_dma source(%arg6 : memref<16x2048xf32, #tpu.memory_space<vmem>>) target(%arg4 : memref<16x2048xf32, #tpu.memory_space<hbm>>) target_semaphore(%run_scoped3A_7 : memref<!tpu.dma_semaphore, #tpu.memory_space<semaphore_mem>>)
        tpu.wait_dma2 semaphore(%run_scoped3A_7 : memref<!tpu.dma_semaphore, #tpu.memory_space<semaphore_mem>>) src(%arg6 : memref<16x2048xf32, #tpu.memory_space<vmem>>) dst(%arg4 : memref<16x2048xf32, #tpu.memory_space<hbm>>)
        tpu.yield
      }) : () -> ()
    } else {
    }
    return
  }
}

module attributes {stable_mosaic.version = 14 : i64} {
  func.func @_tc_body(%arg0: memref<16x2048xf32, #tpu.memory_space<vmem>>, %arg1: memref<1x100000xf32, #tpu.memory_space<vmem>>, %arg2: memref<16x2048xf32, #tpu.memory_space<vmem>>, %arg3: memref<1x100000xf32, #tpu.memory_space<vmem>>) attributes {dimension_semantics = [], scalar_prefetch = 0 : i64, scratch_operands = 0 : i64, tpu.core_type = #tpu.core_type<tc>} {
    %get3A = arith.constant 0 : index
    %get3A_0 = arith.constant 0 : index
    %get3A_1 = vector.load %arg0[%get3A, %get3A_0] : memref<16x2048xf32, #tpu.memory_space<vmem>>, vector<16x2048xf32>
    %iota3A = tpu.iota {dimensions = array<i32: 0>} : vector<16x1xi32>
    %ge3A = arith.constant 11 : i32
    %ge3A_2 = vector.broadcast %ge3A : i32 to vector<16x1xi32>
    %ge3A_3 = arith.cmpi sge, %iota3A, %ge3A_2 : vector<16x1xi32>
    %jit3A = arith.constant 0.000000e+00 : f32
    %broadcast_in_dim3A = vector.shape_cast %ge3A_3 : vector<16x1xi1> to vector<16x1xi1>
    %broadcast_in_dim3A_4 = vector.broadcast %broadcast_in_dim3A : vector<16x1xi1> to vector<16x2048xi1>
    %broadcast_in_dim3A_5 = vector.broadcast %jit3A : f32 to vector<16x2048xf32>
    %select_n3A = arith.select %broadcast_in_dim3A_4, %get3A_1, %broadcast_in_dim3A_5 : vector<16x2048xi1>, vector<16x2048xf32>
    %reduce_sum3A = arith.constant dense<0.000000e+00> : vector<2048xf32>
    %reduce_sum3A_6 = vector.multi_reduction <add>, %select_n3A, %reduce_sum3A [0] : vector<16x2048xf32> to vector<2048xf32>
    %broadcast_in_dim3A_7 = vector.shape_cast %reduce_sum3A_6 : vector<2048xf32> to vector<1x2048xf32>
    %div3A = arith.constant 5.000000e+00 : f32
    %div3A_8 = vector.broadcast %div3A : f32 to vector<1x2048xf32>
    %div3A_9 = arith.divf %broadcast_in_dim3A_7, %div3A_8 : vector<1x2048xf32>
    %get3A_10 = arith.constant 0 : index
    %get3A_11 = arith.constant 0 : index
    %get3A_12 = vector.load %arg2[%get3A_10, %get3A_11] : memref<16x2048xf32, #tpu.memory_space<vmem>>, vector<16x2048xf32>
    %mul3A = vector.broadcast %div3A_9 : vector<1x2048xf32> to vector<16x2048xf32>
    %mul3A_13 = arith.mulf %get3A_12, %mul3A : vector<16x2048xf32>
    %reduce_sum3A_14 = arith.constant dense<0.000000e+00> : vector<16xf32>
    %reduce_sum3A_15 = vector.multi_reduction <add>, %mul3A_13, %reduce_sum3A_14 [1] : vector<16x2048xf32> to vector<16xf32>
    %broadcast_in_dim3A_16 = vector.shape_cast %reduce_sum3A_15 : vector<16xf32> to vector<16x1xf32>
    %iota3A_17 = tpu.iota {dimensions = array<i32: 0>} : vector<16x1xi32>
    %shift_left3A = arith.constant 1 : i32
    %shift_left3A_18 = vector.broadcast %shift_left3A : i32 to vector<16x1xi32>
    %shift_left3A_19 = arith.shli %shift_left3A_18, %iota3A_17 : vector<16x1xi32>
    %gt3A = arith.constant 0.000000e+00 : f32
    %gt3A_20 = vector.broadcast %gt3A : f32 to vector<16x1xf32>
    %gt3A_21 = arith.cmpf ogt, %broadcast_in_dim3A_16, %gt3A_20 : vector<16x1xf32>
    %jit3A_22 = arith.constant 0 : i32
    %broadcast_in_dim3A_23 = vector.broadcast %jit3A_22 : i32 to vector<16x1xi32>
    %select_n3A_24 = arith.select %gt3A_21, %shift_left3A_19, %broadcast_in_dim3A_23 : vector<16x1xi1>, vector<16x1xi32>
    %reduce_sum3A_25 = vector.shape_cast %select_n3A_24 : vector<16x1xi32> to vector<1x16x1xi32>
    %reduce_sum3A_26 = arith.constant dense<0> : vector<1xi32>
    %reduce_sum3A_27 = vector.multi_reduction <add>, %reduce_sum3A_25, %reduce_sum3A_26 [1, 2] : vector<1x16x1xi32> to vector<1xi32>
    %reduce_sum3A_28 = vector.shape_cast %reduce_sum3A_27 : vector<1xi32> to vector<1x1x1xi32>
    %reduce_sum3A_29 = vector.extract %reduce_sum3A_28[0, 0, 0] : i32 from vector<1x1x1xi32>
    %xor3A = arith.constant 0 : i32
    %xor3A_30 = arith.constant 42 : i32
    %xor3A_31 = arith.xori %xor3A, %xor3A_30 : i32
    %xor3A_32 = arith.constant 466688986 : i32
    %xor3A_33 = arith.xori %xor3A_31, %xor3A_32 : i32
    %add3A = arith.constant 0 : i32
    %add3A_34 = arith.constant 0 : i32
    %add3A_35 = arith.addi %add3A, %add3A_34 : i32
    %add3A_36 = arith.constant 42 : i32
    %add3A_37 = arith.addi %reduce_sum3A_29, %add3A_36 : i32
    %add3A_38 = arith.addi %add3A_35, %add3A_37 : i32
    %shift_left3A_39 = arith.constant 13 : i32
    %shift_left3A_40 = arith.shli %add3A_37, %shift_left3A_39 : i32
    %shift_right_logical3A = arith.constant 19 : i32
    %shift_right_logical3A_41 = arith.shrui %add3A_37, %shift_right_logical3A : i32
    %or3A = arith.ori %shift_left3A_40, %shift_right_logical3A_41 : i32
    %xor3A_42 = arith.xori %or3A, %add3A_38 : i32
    %add3A_43 = arith.addi %add3A_38, %xor3A_42 : i32
    %shift_left3A_44 = arith.constant 15 : i32
    %shift_left3A_45 = arith.shli %xor3A_42, %shift_left3A_44 : i32
    %shift_right_logical3A_46 = arith.constant 17 : i32
    %shift_right_logical3A_47 = arith.shrui %xor3A_42, %shift_right_logical3A_46 : i32
    %or3A_48 = arith.ori %shift_left3A_45, %shift_right_logical3A_47 : i32
    %xor3A_49 = arith.xori %or3A_48, %add3A_43 : i32
    %add3A_50 = arith.addi %add3A_43, %xor3A_49 : i32
    %shift_left3A_51 = arith.constant 26 : i32
    %shift_left3A_52 = arith.shli %xor3A_49, %shift_left3A_51 : i32
    %shift_right_logical3A_53 = arith.constant 6 : i32
    %shift_right_logical3A_54 = arith.shrui %xor3A_49, %shift_right_logical3A_53 : i32
    %or3A_55 = arith.ori %shift_left3A_52, %shift_right_logical3A_54 : i32
    %xor3A_56 = arith.xori %or3A_55, %add3A_50 : i32
    %add3A_57 = arith.addi %add3A_50, %xor3A_56 : i32
    %shift_left3A_58 = arith.constant 6 : i32
    %shift_left3A_59 = arith.shli %xor3A_56, %shift_left3A_58 : i32
    %shift_right_logical3A_60 = arith.constant 26 : i32
    %shift_right_logical3A_61 = arith.shrui %xor3A_56, %shift_right_logical3A_60 : i32
    %or3A_62 = arith.ori %shift_left3A_59, %shift_right_logical3A_61 : i32
    %xor3A_63 = arith.xori %or3A_62, %add3A_57 : i32
    %add3A_64 = arith.constant 42 : i32
    %add3A_65 = arith.addi %add3A_57, %add3A_64 : i32
    %add3A_66 = arith.addi %xor3A_63, %xor3A_33 : i32
    %add3A_67 = arith.constant 1 : i32
    %add3A_68 = arith.addi %add3A_66, %add3A_67 : i32
    %add3A_69 = arith.addi %add3A_65, %add3A_68 : i32
    %shift_left3A_70 = arith.constant 17 : i32
    %shift_left3A_71 = arith.shli %add3A_68, %shift_left3A_70 : i32
    %shift_right_logical3A_72 = arith.constant 15 : i32
    %shift_right_logical3A_73 = arith.shrui %add3A_68, %shift_right_logical3A_72 : i32
    %or3A_74 = arith.ori %shift_left3A_71, %shift_right_logical3A_73 : i32
    %xor3A_75 = arith.xori %or3A_74, %add3A_69 : i32
    %add3A_76 = arith.addi %add3A_69, %xor3A_75 : i32
    %shift_left3A_77 = arith.constant 29 : i32
    %shift_left3A_78 = arith.shli %xor3A_75, %shift_left3A_77 : i32
    %shift_right_logical3A_79 = arith.constant 3 : i32
    %shift_right_logical3A_80 = arith.shrui %xor3A_75, %shift_right_logical3A_79 : i32
    %or3A_81 = arith.ori %shift_left3A_78, %shift_right_logical3A_80 : i32
    %xor3A_82 = arith.xori %or3A_81, %add3A_76 : i32
    %add3A_83 = arith.addi %add3A_76, %xor3A_82 : i32
    %shift_left3A_84 = arith.constant 16 : i32
    %shift_left3A_85 = arith.shli %xor3A_82, %shift_left3A_84 : i32
    %shift_right_logical3A_86 = arith.constant 16 : i32
    %shift_right_logical3A_87 = arith.shrui %xor3A_82, %shift_right_logical3A_86 : i32
    %or3A_88 = arith.ori %shift_left3A_85, %shift_right_logical3A_87 : i32
    %xor3A_89 = arith.xori %or3A_88, %add3A_83 : i32
    %add3A_90 = arith.addi %add3A_83, %xor3A_89 : i32
    %shift_left3A_91 = arith.constant 24 : i32
    %shift_left3A_92 = arith.shli %xor3A_89, %shift_left3A_91 : i32
    %shift_right_logical3A_93 = arith.constant 8 : i32
    %shift_right_logical3A_94 = arith.shrui %xor3A_89, %shift_right_logical3A_93 : i32
    %or3A_95 = arith.ori %shift_left3A_92, %shift_right_logical3A_94 : i32
    %xor3A_96 = arith.xori %or3A_95, %add3A_90 : i32
    %add3A_97 = arith.addi %add3A_90, %xor3A_33 : i32
    %add3A_98 = arith.constant 0 : i32
    %add3A_99 = arith.addi %xor3A_96, %add3A_98 : i32
    %add3A_100 = arith.constant 2 : i32
    %add3A_101 = arith.addi %add3A_99, %add3A_100 : i32
    %add3A_102 = arith.addi %add3A_97, %add3A_101 : i32
    %shift_left3A_103 = arith.constant 13 : i32
    %shift_left3A_104 = arith.shli %add3A_101, %shift_left3A_103 : i32
    %shift_right_logical3A_105 = arith.constant 19 : i32
    %shift_right_logical3A_106 = arith.shrui %add3A_101, %shift_right_logical3A_105 : i32
    %or3A_107 = arith.ori %shift_left3A_104, %shift_right_logical3A_106 : i32
    %xor3A_108 = arith.xori %or3A_107, %add3A_102 : i32
    %add3A_109 = arith.addi %add3A_102, %xor3A_108 : i32
    %shift_left3A_110 = arith.constant 15 : i32
    %shift_left3A_111 = arith.shli %xor3A_108, %shift_left3A_110 : i32
    %shift_right_logical3A_112 = arith.constant 17 : i32
    %shift_right_logical3A_113 = arith.shrui %xor3A_108, %shift_right_logical3A_112 : i32
    %or3A_114 = arith.ori %shift_left3A_111, %shift_right_logical3A_113 : i32
    %xor3A_115 = arith.xori %or3A_114, %add3A_109 : i32
    %add3A_116 = arith.addi %add3A_109, %xor3A_115 : i32
    %shift_left3A_117 = arith.constant 26 : i32
    %shift_left3A_118 = arith.shli %xor3A_115, %shift_left3A_117 : i32
    %shift_right_logical3A_119 = arith.constant 6 : i32
    %shift_right_logical3A_120 = arith.shrui %xor3A_115, %shift_right_logical3A_119 : i32
    %or3A_121 = arith.ori %shift_left3A_118, %shift_right_logical3A_120 : i32
    %xor3A_122 = arith.xori %or3A_121, %add3A_116 : i32
    %add3A_123 = arith.addi %add3A_116, %xor3A_122 : i32
    %shift_left3A_124 = arith.constant 6 : i32
    %shift_left3A_125 = arith.shli %xor3A_122, %shift_left3A_124 : i32
    %shift_right_logical3A_126 = arith.constant 26 : i32
    %shift_right_logical3A_127 = arith.shrui %xor3A_122, %shift_right_logical3A_126 : i32
    %or3A_128 = arith.ori %shift_left3A_125, %shift_right_logical3A_127 : i32
    %xor3A_129 = arith.xori %or3A_128, %add3A_123 : i32
    %add3A_130 = arith.constant 0 : i32
    %add3A_131 = arith.addi %add3A_123, %add3A_130 : i32
    %add3A_132 = arith.constant 42 : i32
    %add3A_133 = arith.addi %xor3A_129, %add3A_132 : i32
    %add3A_134 = arith.constant 3 : i32
    %add3A_135 = arith.addi %add3A_133, %add3A_134 : i32
    %add3A_136 = arith.addi %add3A_131, %add3A_135 : i32
    %shift_left3A_137 = arith.constant 17 : i32
    %shift_left3A_138 = arith.shli %add3A_135, %shift_left3A_137 : i32
    %shift_right_logical3A_139 = arith.constant 15 : i32
    %shift_right_logical3A_140 = arith.shrui %add3A_135, %shift_right_logical3A_139 : i32
    %or3A_141 = arith.ori %shift_left3A_138, %shift_right_logical3A_140 : i32
    %xor3A_142 = arith.xori %or3A_141, %add3A_136 : i32
    %add3A_143 = arith.addi %add3A_136, %xor3A_142 : i32
    %shift_left3A_144 = arith.constant 29 : i32
    %shift_left3A_145 = arith.shli %xor3A_142, %shift_left3A_144 : i32
    %shift_right_logical3A_146 = arith.constant 3 : i32
    %shift_right_logical3A_147 = arith.shrui %xor3A_142, %shift_right_logical3A_146 : i32
    %or3A_148 = arith.ori %shift_left3A_145, %shift_right_logical3A_147 : i32
    %xor3A_149 = arith.xori %or3A_148, %add3A_143 : i32
    %add3A_150 = arith.addi %add3A_143, %xor3A_149 : i32
    %shift_left3A_151 = arith.constant 16 : i32
    %shift_left3A_152 = arith.shli %xor3A_149, %shift_left3A_151 : i32
    %shift_right_logical3A_153 = arith.constant 16 : i32
    %shift_right_logical3A_154 = arith.shrui %xor3A_149, %shift_right_logical3A_153 : i32
    %or3A_155 = arith.ori %shift_left3A_152, %shift_right_logical3A_154 : i32
    %xor3A_156 = arith.xori %or3A_155, %add3A_150 : i32
    %add3A_157 = arith.addi %add3A_150, %xor3A_156 : i32
    %shift_left3A_158 = arith.constant 24 : i32
    %shift_left3A_159 = arith.shli %xor3A_156, %shift_left3A_158 : i32
    %shift_right_logical3A_160 = arith.constant 8 : i32
    %shift_right_logical3A_161 = arith.shrui %xor3A_156, %shift_right_logical3A_160 : i32
    %or3A_162 = arith.ori %shift_left3A_159, %shift_right_logical3A_161 : i32
    %xor3A_163 = arith.xori %or3A_162, %add3A_157 : i32
    %add3A_164 = arith.constant 42 : i32
    %add3A_165 = arith.addi %add3A_157, %add3A_164 : i32
    %add3A_166 = arith.addi %xor3A_163, %xor3A_33 : i32
    %add3A_167 = arith.constant 4 : i32
    %add3A_168 = arith.addi %add3A_166, %add3A_167 : i32
    %add3A_169 = arith.addi %add3A_165, %add3A_168 : i32
    %shift_left3A_170 = arith.constant 13 : i32
    %shift_left3A_171 = arith.shli %add3A_168, %shift_left3A_170 : i32
    %shift_right_logical3A_172 = arith.constant 19 : i32
    %shift_right_logical3A_173 = arith.shrui %add3A_168, %shift_right_logical3A_172 : i32
    %or3A_174 = arith.ori %shift_left3A_171, %shift_right_logical3A_173 : i32
    %xor3A_175 = arith.xori %or3A_174, %add3A_169 : i32
    %add3A_176 = arith.addi %add3A_169, %xor3A_175 : i32
    %shift_left3A_177 = arith.constant 15 : i32
    %shift_left3A_178 = arith.shli %xor3A_175, %shift_left3A_177 : i32
    %shift_right_logical3A_179 = arith.constant 17 : i32
    %shift_right_logical3A_180 = arith.shrui %xor3A_175, %shift_right_logical3A_179 : i32
    %or3A_181 = arith.ori %shift_left3A_178, %shift_right_logical3A_180 : i32
    %xor3A_182 = arith.xori %or3A_181, %add3A_176 : i32
    %add3A_183 = arith.addi %add3A_176, %xor3A_182 : i32
    %shift_left3A_184 = arith.constant 26 : i32
    %shift_left3A_185 = arith.shli %xor3A_182, %shift_left3A_184 : i32
    %shift_right_logical3A_186 = arith.constant 6 : i32
    %shift_right_logical3A_187 = arith.shrui %xor3A_182, %shift_right_logical3A_186 : i32
    %or3A_188 = arith.ori %shift_left3A_185, %shift_right_logical3A_187 : i32
    %xor3A_189 = arith.xori %or3A_188, %add3A_183 : i32
    %add3A_190 = arith.addi %add3A_183, %xor3A_189 : i32
    %shift_left3A_191 = arith.constant 6 : i32
    %shift_left3A_192 = arith.shli %xor3A_189, %shift_left3A_191 : i32
    %shift_right_logical3A_193 = arith.constant 26 : i32
    %shift_right_logical3A_194 = arith.shrui %xor3A_189, %shift_right_logical3A_193 : i32
    %or3A_195 = arith.ori %shift_left3A_192, %shift_right_logical3A_194 : i32
    %xor3A_196 = arith.xori %or3A_195, %add3A_190 : i32
    %add3A_197 = arith.addi %add3A_190, %xor3A_33 : i32
    %add3A_198 = arith.constant 0 : i32
    %add3A_199 = arith.addi %xor3A_196, %add3A_198 : i32
    %add3A_200 = arith.constant 5 : i32
    %add3A_201 = arith.addi %add3A_199, %add3A_200 : i32
    %iota3A_202 = tpu.iota {dimensions = array<i32: 0>} : vector<8x12500xi32>
    %iota3A_203 = tpu.iota {dimensions = array<i32: 1>} : vector<8x12500xi32>
    %mul3A_204 = arith.constant 12500 : i32
    %mul3A_205 = vector.broadcast %mul3A_204 : i32 to vector<8x12500xi32>
    %mul3A_206 = arith.muli %iota3A_202, %mul3A_205 : vector<8x12500xi32>
    %add3A_207 = arith.addi %mul3A_206, %iota3A_203 : vector<8x12500xi32>
    %xor3A_208 = arith.xori %add3A_197, %add3A_201 : i32
    %xor3A_209 = arith.constant 466688986 : i32
    %xor3A_210 = arith.xori %xor3A_208, %xor3A_209 : i32
    %add3A_211 = arith.constant 0 : i32
    %add3A_212 = arith.addi %add3A_211, %add3A_197 : i32
    %add3A_213 = vector.broadcast %add3A_201 : i32 to vector<8x12500xi32>
    %add3A_214 = arith.addi %add3A_207, %add3A_213 : vector<8x12500xi32>
    %add3A_215 = vector.broadcast %add3A_212 : i32 to vector<8x12500xi32>
    %add3A_216 = arith.addi %add3A_215, %add3A_214 : vector<8x12500xi32>
    %shift_left3A_217 = arith.constant 13 : i32
    %shift_left3A_218 = vector.broadcast %shift_left3A_217 : i32 to vector<8x12500xi32>
    %shift_left3A_219 = arith.shli %add3A_214, %shift_left3A_218 : vector<8x12500xi32>
    %shift_right_logical3A_220 = arith.constant 19 : i32
    %shift_right_logical3A_221 = vector.broadcast %shift_right_logical3A_220 : i32 to vector<8x12500xi32>
    %shift_right_logical3A_222 = arith.shrui %add3A_214, %shift_right_logical3A_221 : vector<8x12500xi32>
    %or3A_223 = arith.ori %shift_left3A_219, %shift_right_logical3A_222 : vector<8x12500xi32>
    %xor3A_224 = arith.xori %or3A_223, %add3A_216 : vector<8x12500xi32>
    %add3A_225 = arith.addi %add3A_216, %xor3A_224 : vector<8x12500xi32>
    %shift_left3A_226 = arith.constant 15 : i32
    %shift_left3A_227 = vector.broadcast %shift_left3A_226 : i32 to vector<8x12500xi32>
    %shift_left3A_228 = arith.shli %xor3A_224, %shift_left3A_227 : vector<8x12500xi32>
    %shift_right_logical3A_229 = arith.constant 17 : i32
    %shift_right_logical3A_230 = vector.broadcast %shift_right_logical3A_229 : i32 to vector<8x12500xi32>
    %shift_right_logical3A_231 = arith.shrui %xor3A_224, %shift_right_logical3A_230 : vector<8x12500xi32>
    %or3A_232 = arith.ori %shift_left3A_228, %shift_right_logical3A_231 : vector<8x12500xi32>
    %xor3A_233 = arith.xori %or3A_232, %add3A_225 : vector<8x12500xi32>
    %add3A_234 = arith.addi %add3A_225, %xor3A_233 : vector<8x12500xi32>
    %shift_left3A_235 = arith.constant 26 : i32
    %shift_left3A_236 = vector.broadcast %shift_left3A_235 : i32 to vector<8x12500xi32>
    %shift_left3A_237 = arith.shli %xor3A_233, %shift_left3A_236 : vector<8x12500xi32>
    %shift_right_logical3A_238 = arith.constant 6 : i32
    %shift_right_logical3A_239 = vector.broadcast %shift_right_logical3A_238 : i32 to vector<8x12500xi32>
    %shift_right_logical3A_240 = arith.shrui %xor3A_233, %shift_right_logical3A_239 : vector<8x12500xi32>
    %or3A_241 = arith.ori %shift_left3A_237, %shift_right_logical3A_240 : vector<8x12500xi32>
    %xor3A_242 = arith.xori %or3A_241, %add3A_234 : vector<8x12500xi32>
    %add3A_243 = arith.addi %add3A_234, %xor3A_242 : vector<8x12500xi32>
    %shift_left3A_244 = arith.constant 6 : i32
    %shift_left3A_245 = vector.broadcast %shift_left3A_244 : i32 to vector<8x12500xi32>
    %shift_left3A_246 = arith.shli %xor3A_242, %shift_left3A_245 : vector<8x12500xi32>
    %shift_right_logical3A_247 = arith.constant 26 : i32
    %shift_right_logical3A_248 = vector.broadcast %shift_right_logical3A_247 : i32 to vector<8x12500xi32>
    %shift_right_logical3A_249 = arith.shrui %xor3A_242, %shift_right_logical3A_248 : vector<8x12500xi32>
    %or3A_250 = arith.ori %shift_left3A_246, %shift_right_logical3A_249 : vector<8x12500xi32>
    %xor3A_251 = arith.xori %or3A_250, %add3A_243 : vector<8x12500xi32>
    %add3A_252 = vector.broadcast %add3A_201 : i32 to vector<8x12500xi32>
    %add3A_253 = arith.addi %add3A_243, %add3A_252 : vector<8x12500xi32>
    %add3A_254 = vector.broadcast %xor3A_210 : i32 to vector<8x12500xi32>
    %add3A_255 = arith.addi %xor3A_251, %add3A_254 : vector<8x12500xi32>
    %add3A_256 = arith.constant 1 : i32
    %add3A_257 = vector.broadcast %add3A_256 : i32 to vector<8x12500xi32>
    %add3A_258 = arith.addi %add3A_255, %add3A_257 : vector<8x12500xi32>
    %add3A_259 = arith.addi %add3A_253, %add3A_258 : vector<8x12500xi32>
    %shift_left3A_260 = arith.constant 17 : i32
    %shift_left3A_261 = vector.broadcast %shift_left3A_260 : i32 to vector<8x12500xi32>
    %shift_left3A_262 = arith.shli %add3A_258, %shift_left3A_261 : vector<8x12500xi32>
    %shift_right_logical3A_263 = arith.constant 15 : i32
    %shift_right_logical3A_264 = vector.broadcast %shift_right_logical3A_263 : i32 to vector<8x12500xi32>
    %shift_right_logical3A_265 = arith.shrui %add3A_258, %shift_right_logical3A_264 : vector<8x12500xi32>
    %or3A_266 = arith.ori %shift_left3A_262, %shift_right_logical3A_265 : vector<8x12500xi32>
    %xor3A_267 = arith.xori %or3A_266, %add3A_259 : vector<8x12500xi32>
    %add3A_268 = arith.addi %add3A_259, %xor3A_267 : vector<8x12500xi32>
    %shift_left3A_269 = arith.constant 29 : i32
    %shift_left3A_270 = vector.broadcast %shift_left3A_269 : i32 to vector<8x12500xi32>
    %shift_left3A_271 = arith.shli %xor3A_267, %shift_left3A_270 : vector<8x12500xi32>
    %shift_right_logical3A_272 = arith.constant 3 : i32
    %shift_right_logical3A_273 = vector.broadcast %shift_right_logical3A_272 : i32 to vector<8x12500xi32>
    %shift_right_logical3A_274 = arith.shrui %xor3A_267, %shift_right_logical3A_273 : vector<8x12500xi32>
    %or3A_275 = arith.ori %shift_left3A_271, %shift_right_logical3A_274 : vector<8x12500xi32>
    %xor3A_276 = arith.xori %or3A_275, %add3A_268 : vector<8x12500xi32>
    %add3A_277 = arith.addi %add3A_268, %xor3A_276 : vector<8x12500xi32>
    %shift_left3A_278 = arith.constant 16 : i32
    %shift_left3A_279 = vector.broadcast %shift_left3A_278 : i32 to vector<8x12500xi32>
    %shift_left3A_280 = arith.shli %xor3A_276, %shift_left3A_279 : vector<8x12500xi32>
    %shift_right_logical3A_281 = arith.constant 16 : i32
    %shift_right_logical3A_282 = vector.broadcast %shift_right_logical3A_281 : i32 to vector<8x12500xi32>
    %shift_right_logical3A_283 = arith.shrui %xor3A_276, %shift_right_logical3A_282 : vector<8x12500xi32>
    %or3A_284 = arith.ori %shift_left3A_280, %shift_right_logical3A_283 : vector<8x12500xi32>
    %xor3A_285 = arith.xori %or3A_284, %add3A_277 : vector<8x12500xi32>
    %add3A_286 = arith.addi %add3A_277, %xor3A_285 : vector<8x12500xi32>
    %shift_left3A_287 = arith.constant 24 : i32
    %shift_left3A_288 = vector.broadcast %shift_left3A_287 : i32 to vector<8x12500xi32>
    %shift_left3A_289 = arith.shli %xor3A_285, %shift_left3A_288 : vector<8x12500xi32>
    %shift_right_logical3A_290 = arith.constant 8 : i32
    %shift_right_logical3A_291 = vector.broadcast %shift_right_logical3A_290 : i32 to vector<8x12500xi32>
    %shift_right_logical3A_292 = arith.shrui %xor3A_285, %shift_right_logical3A_291 : vector<8x12500xi32>
    %or3A_293 = arith.ori %shift_left3A_289, %shift_right_logical3A_292 : vector<8x12500xi32>
    %xor3A_294 = arith.xori %or3A_293, %add3A_286 : vector<8x12500xi32>
    %add3A_295 = vector.broadcast %xor3A_210 : i32 to vector<8x12500xi32>
    %add3A_296 = arith.addi %add3A_286, %add3A_295 : vector<8x12500xi32>
    %add3A_297 = vector.broadcast %add3A_197 : i32 to vector<8x12500xi32>
    %add3A_298 = arith.addi %xor3A_294, %add3A_297 : vector<8x12500xi32>
    %add3A_299 = arith.constant 2 : i32
    %add3A_300 = vector.broadcast %add3A_299 : i32 to vector<8x12500xi32>
    %add3A_301 = arith.addi %add3A_298, %add3A_300 : vector<8x12500xi32>
    %add3A_302 = arith.addi %add3A_296, %add3A_301 : vector<8x12500xi32>
    %shift_left3A_303 = arith.constant 13 : i32
    %shift_left3A_304 = vector.broadcast %shift_left3A_303 : i32 to vector<8x12500xi32>
    %shift_left3A_305 = arith.shli %add3A_301, %shift_left3A_304 : vector<8x12500xi32>
    %shift_right_logical3A_306 = arith.constant 19 : i32
    %shift_right_logical3A_307 = vector.broadcast %shift_right_logical3A_306 : i32 to vector<8x12500xi32>
    %shift_right_logical3A_308 = arith.shrui %add3A_301, %shift_right_logical3A_307 : vector<8x12500xi32>
    %or3A_309 = arith.ori %shift_left3A_305, %shift_right_logical3A_308 : vector<8x12500xi32>
    %xor3A_310 = arith.xori %or3A_309, %add3A_302 : vector<8x12500xi32>
    %add3A_311 = arith.addi %add3A_302, %xor3A_310 : vector<8x12500xi32>
    %shift_left3A_312 = arith.constant 15 : i32
    %shift_left3A_313 = vector.broadcast %shift_left3A_312 : i32 to vector<8x12500xi32>
    %shift_left3A_314 = arith.shli %xor3A_310, %shift_left3A_313 : vector<8x12500xi32>
    %shift_right_logical3A_315 = arith.constant 17 : i32
    %shift_right_logical3A_316 = vector.broadcast %shift_right_logical3A_315 : i32 to vector<8x12500xi32>
    %shift_right_logical3A_317 = arith.shrui %xor3A_310, %shift_right_logical3A_316 : vector<8x12500xi32>
    %or3A_318 = arith.ori %shift_left3A_314, %shift_right_logical3A_317 : vector<8x12500xi32>
    %xor3A_319 = arith.xori %or3A_318, %add3A_311 : vector<8x12500xi32>
    %add3A_320 = arith.addi %add3A_311, %xor3A_319 : vector<8x12500xi32>
    %shift_left3A_321 = arith.constant 26 : i32
    %shift_left3A_322 = vector.broadcast %shift_left3A_321 : i32 to vector<8x12500xi32>
    %shift_left3A_323 = arith.shli %xor3A_319, %shift_left3A_322 : vector<8x12500xi32>
    %shift_right_logical3A_324 = arith.constant 6 : i32
    %shift_right_logical3A_325 = vector.broadcast %shift_right_logical3A_324 : i32 to vector<8x12500xi32>
    %shift_right_logical3A_326 = arith.shrui %xor3A_319, %shift_right_logical3A_325 : vector<8x12500xi32>
    %or3A_327 = arith.ori %shift_left3A_323, %shift_right_logical3A_326 : vector<8x12500xi32>
    %xor3A_328 = arith.xori %or3A_327, %add3A_320 : vector<8x12500xi32>
    %add3A_329 = arith.addi %add3A_320, %xor3A_328 : vector<8x12500xi32>
    %shift_left3A_330 = arith.constant 6 : i32
    %shift_left3A_331 = vector.broadcast %shift_left3A_330 : i32 to vector<8x12500xi32>
    %shift_left3A_332 = arith.shli %xor3A_328, %shift_left3A_331 : vector<8x12500xi32>
    %shift_right_logical3A_333 = arith.constant 26 : i32
    %shift_right_logical3A_334 = vector.broadcast %shift_right_logical3A_333 : i32 to vector<8x12500xi32>
    %shift_right_logical3A_335 = arith.shrui %xor3A_328, %shift_right_logical3A_334 : vector<8x12500xi32>
    %or3A_336 = arith.ori %shift_left3A_332, %shift_right_logical3A_335 : vector<8x12500xi32>
    %xor3A_337 = arith.xori %or3A_336, %add3A_329 : vector<8x12500xi32>
    %add3A_338 = vector.broadcast %add3A_197 : i32 to vector<8x12500xi32>
    %add3A_339 = arith.addi %add3A_329, %add3A_338 : vector<8x12500xi32>
    %add3A_340 = vector.broadcast %add3A_201 : i32 to vector<8x12500xi32>
    %add3A_341 = arith.addi %xor3A_337, %add3A_340 : vector<8x12500xi32>
    %add3A_342 = arith.constant 3 : i32
    %add3A_343 = vector.broadcast %add3A_342 : i32 to vector<8x12500xi32>
    %add3A_344 = arith.addi %add3A_341, %add3A_343 : vector<8x12500xi32>
    %add3A_345 = arith.addi %add3A_339, %add3A_344 : vector<8x12500xi32>
    %shift_left3A_346 = arith.constant 17 : i32
    %shift_left3A_347 = vector.broadcast %shift_left3A_346 : i32 to vector<8x12500xi32>
    %shift_left3A_348 = arith.shli %add3A_344, %shift_left3A_347 : vector<8x12500xi32>
    %shift_right_logical3A_349 = arith.constant 15 : i32
    %shift_right_logical3A_350 = vector.broadcast %shift_right_logical3A_349 : i32 to vector<8x12500xi32>
    %shift_right_logical3A_351 = arith.shrui %add3A_344, %shift_right_logical3A_350 : vector<8x12500xi32>
    %or3A_352 = arith.ori %shift_left3A_348, %shift_right_logical3A_351 : vector<8x12500xi32>
    %xor3A_353 = arith.xori %or3A_352, %add3A_345 : vector<8x12500xi32>
    %add3A_354 = arith.addi %add3A_345, %xor3A_353 : vector<8x12500xi32>
    %shift_left3A_355 = arith.constant 29 : i32
    %shift_left3A_356 = vector.broadcast %shift_left3A_355 : i32 to vector<8x12500xi32>
    %shift_left3A_357 = arith.shli %xor3A_353, %shift_left3A_356 : vector<8x12500xi32>
    %shift_right_logical3A_358 = arith.constant 3 : i32
    %shift_right_logical3A_359 = vector.broadcast %shift_right_logical3A_358 : i32 to vector<8x12500xi32>
    %shift_right_logical3A_360 = arith.shrui %xor3A_353, %shift_right_logical3A_359 : vector<8x12500xi32>
    %or3A_361 = arith.ori %shift_left3A_357, %shift_right_logical3A_360 : vector<8x12500xi32>
    %xor3A_362 = arith.xori %or3A_361, %add3A_354 : vector<8x12500xi32>
    %add3A_363 = arith.addi %add3A_354, %xor3A_362 : vector<8x12500xi32>
    %shift_left3A_364 = arith.constant 16 : i32
    %shift_left3A_365 = vector.broadcast %shift_left3A_364 : i32 to vector<8x12500xi32>
    %shift_left3A_366 = arith.shli %xor3A_362, %shift_left3A_365 : vector<8x12500xi32>
    %shift_right_logical3A_367 = arith.constant 16 : i32
    %shift_right_logical3A_368 = vector.broadcast %shift_right_logical3A_367 : i32 to vector<8x12500xi32>
    %shift_right_logical3A_369 = arith.shrui %xor3A_362, %shift_right_logical3A_368 : vector<8x12500xi32>
    %or3A_370 = arith.ori %shift_left3A_366, %shift_right_logical3A_369 : vector<8x12500xi32>
    %xor3A_371 = arith.xori %or3A_370, %add3A_363 : vector<8x12500xi32>
    %add3A_372 = arith.addi %add3A_363, %xor3A_371 : vector<8x12500xi32>
    %shift_left3A_373 = arith.constant 24 : i32
    %shift_left3A_374 = vector.broadcast %shift_left3A_373 : i32 to vector<8x12500xi32>
    %shift_left3A_375 = arith.shli %xor3A_371, %shift_left3A_374 : vector<8x12500xi32>
    %shift_right_logical3A_376 = arith.constant 8 : i32
    %shift_right_logical3A_377 = vector.broadcast %shift_right_logical3A_376 : i32 to vector<8x12500xi32>
    %shift_right_logical3A_378 = arith.shrui %xor3A_371, %shift_right_logical3A_377 : vector<8x12500xi32>
    %or3A_379 = arith.ori %shift_left3A_375, %shift_right_logical3A_378 : vector<8x12500xi32>
    %xor3A_380 = arith.xori %or3A_379, %add3A_372 : vector<8x12500xi32>
    %add3A_381 = vector.broadcast %add3A_201 : i32 to vector<8x12500xi32>
    %add3A_382 = arith.addi %add3A_372, %add3A_381 : vector<8x12500xi32>
    %add3A_383 = vector.broadcast %xor3A_210 : i32 to vector<8x12500xi32>
    %add3A_384 = arith.addi %xor3A_380, %add3A_383 : vector<8x12500xi32>
    %add3A_385 = arith.constant 4 : i32
    %add3A_386 = vector.broadcast %add3A_385 : i32 to vector<8x12500xi32>
    %add3A_387 = arith.addi %add3A_384, %add3A_386 : vector<8x12500xi32>
    %add3A_388 = arith.addi %add3A_382, %add3A_387 : vector<8x12500xi32>
    %shift_left3A_389 = arith.constant 13 : i32
    %shift_left3A_390 = vector.broadcast %shift_left3A_389 : i32 to vector<8x12500xi32>
    %shift_left3A_391 = arith.shli %add3A_387, %shift_left3A_390 : vector<8x12500xi32>
    %shift_right_logical3A_392 = arith.constant 19 : i32
    %shift_right_logical3A_393 = vector.broadcast %shift_right_logical3A_392 : i32 to vector<8x12500xi32>
    %shift_right_logical3A_394 = arith.shrui %add3A_387, %shift_right_logical3A_393 : vector<8x12500xi32>
    %or3A_395 = arith.ori %shift_left3A_391, %shift_right_logical3A_394 : vector<8x12500xi32>
    %xor3A_396 = arith.xori %or3A_395, %add3A_388 : vector<8x12500xi32>
    %add3A_397 = arith.addi %add3A_388, %xor3A_396 : vector<8x12500xi32>
    %shift_left3A_398 = arith.constant 15 : i32
    %shift_left3A_399 = vector.broadcast %shift_left3A_398 : i32 to vector<8x12500xi32>
    %shift_left3A_400 = arith.shli %xor3A_396, %shift_left3A_399 : vector<8x12500xi32>
    %shift_right_logical3A_401 = arith.constant 17 : i32
    %shift_right_logical3A_402 = vector.broadcast %shift_right_logical3A_401 : i32 to vector<8x12500xi32>
    %shift_right_logical3A_403 = arith.shrui %xor3A_396, %shift_right_logical3A_402 : vector<8x12500xi32>
    %or3A_404 = arith.ori %shift_left3A_400, %shift_right_logical3A_403 : vector<8x12500xi32>
    %xor3A_405 = arith.xori %or3A_404, %add3A_397 : vector<8x12500xi32>
    %add3A_406 = arith.addi %add3A_397, %xor3A_405 : vector<8x12500xi32>
    %shift_left3A_407 = arith.constant 26 : i32
    %shift_left3A_408 = vector.broadcast %shift_left3A_407 : i32 to vector<8x12500xi32>
    %shift_left3A_409 = arith.shli %xor3A_405, %shift_left3A_408 : vector<8x12500xi32>
    %shift_right_logical3A_410 = arith.constant 6 : i32
    %shift_right_logical3A_411 = vector.broadcast %shift_right_logical3A_410 : i32 to vector<8x12500xi32>
    %shift_right_logical3A_412 = arith.shrui %xor3A_405, %shift_right_logical3A_411 : vector<8x12500xi32>
    %or3A_413 = arith.ori %shift_left3A_409, %shift_right_logical3A_412 : vector<8x12500xi32>
    %xor3A_414 = arith.xori %or3A_413, %add3A_406 : vector<8x12500xi32>
    %add3A_415 = arith.addi %add3A_406, %xor3A_414 : vector<8x12500xi32>
    %shift_left3A_416 = arith.constant 6 : i32
    %shift_left3A_417 = vector.broadcast %shift_left3A_416 : i32 to vector<8x12500xi32>
    %shift_left3A_418 = arith.shli %xor3A_414, %shift_left3A_417 : vector<8x12500xi32>
    %shift_right_logical3A_419 = arith.constant 26 : i32
    %shift_right_logical3A_420 = vector.broadcast %shift_right_logical3A_419 : i32 to vector<8x12500xi32>
    %shift_right_logical3A_421 = arith.shrui %xor3A_414, %shift_right_logical3A_420 : vector<8x12500xi32>
    %or3A_422 = arith.ori %shift_left3A_418, %shift_right_logical3A_421 : vector<8x12500xi32>
    %xor3A_423 = arith.xori %or3A_422, %add3A_415 : vector<8x12500xi32>
    %add3A_424 = vector.broadcast %xor3A_210 : i32 to vector<8x12500xi32>
    %add3A_425 = arith.addi %add3A_415, %add3A_424 : vector<8x12500xi32>
    %add3A_426 = vector.broadcast %add3A_197 : i32 to vector<8x12500xi32>
    %add3A_427 = arith.addi %xor3A_423, %add3A_426 : vector<8x12500xi32>
    %add3A_428 = arith.constant 5 : i32
    %add3A_429 = vector.broadcast %add3A_428 : i32 to vector<8x12500xi32>
    %add3A_430 = arith.addi %add3A_427, %add3A_429 : vector<8x12500xi32>
    %xor3A_431 = arith.xori %add3A_425, %add3A_430 : vector<8x12500xi32>
    %shift_right_logical3A_432 = arith.constant 9 : i32
    %shift_right_logical3A_433 = vector.broadcast %shift_right_logical3A_432 : i32 to vector<8x12500xi32>
    %shift_right_logical3A_434 = arith.shrui %xor3A_431, %shift_right_logical3A_433 : vector<8x12500xi32>
    %or3A_435 = arith.constant 1065353216 : i32
    %or3A_436 = vector.broadcast %or3A_435 : i32 to vector<8x12500xi32>
    %or3A_437 = arith.ori %shift_right_logical3A_434, %or3A_436 : vector<8x12500xi32>
    %bitcast_convert_type3A = tpu.bitcast %or3A_437 : vector<8x12500xi32> -> vector<8x12500xf32>
    %sub3A = arith.constant 1.000000e+00 : f32
    %sub3A_438 = vector.broadcast %sub3A : f32 to vector<8x12500xf32>
    %sub3A_439 = arith.subf %bitcast_convert_type3A, %sub3A_438 : vector<8x12500xf32>
    %mul3A_440 = arith.constant 1.000000e+00 : f32
    %mul3A_441 = vector.broadcast %mul3A_440 : f32 to vector<8x12500xf32>
    %mul3A_442 = arith.mulf %sub3A_439, %mul3A_441 : vector<8x12500xf32>
    %add3A_443 = arith.constant 9.99999996E-13 : f32
    %add3A_444 = vector.broadcast %add3A_443 : f32 to vector<8x12500xf32>
    %add3A_445 = arith.addf %mul3A_442, %add3A_444 : vector<8x12500xf32>
    %max3A = arith.constant 9.99999996E-13 : f32
    %max3A_446 = vector.broadcast %max3A : f32 to vector<8x12500xf32>
    %max3A_447 = arith.maximumf %max3A_446, %add3A_445 : vector<8x12500xf32>
    %get3A_448 = arith.constant 0 : index
    %get3A_449 = arith.constant 0 : index
    %get3A_450 = vector.load %arg1[%get3A_448, %get3A_449] : memref<1x100000xf32, #tpu.memory_space<vmem>>, vector<1x100000xf32>
    %slice3A = vector.extract_strided_slice %get3A_450 {offsets = [0, 0], sizes = [1, 12500], strides = [1, 1]} : vector<1x100000xf32> to vector<1x12500xf32>
    %slice3A_451 = vector.extract_strided_slice %get3A_450 {offsets = [0, 12500], sizes = [1, 12500], strides = [1, 1]} : vector<1x100000xf32> to vector<1x12500xf32>
    %slice3A_452 = vector.extract_strided_slice %get3A_450 {offsets = [0, 25000], sizes = [1, 12500], strides = [1, 1]} : vector<1x100000xf32> to vector<1x12500xf32>
    %slice3A_453 = vector.extract_strided_slice %get3A_450 {offsets = [0, 37500], sizes = [1, 12500], strides = [1, 1]} : vector<1x100000xf32> to vector<1x12500xf32>
    %slice3A_454 = vector.extract_strided_slice %get3A_450 {offsets = [0, 50000], sizes = [1, 12500], strides = [1, 1]} : vector<1x100000xf32> to vector<1x12500xf32>
    %slice3A_455 = vector.extract_strided_slice %get3A_450 {offsets = [0, 62500], sizes = [1, 12500], strides = [1, 1]} : vector<1x100000xf32> to vector<1x12500xf32>
    %slice3A_456 = vector.extract_strided_slice %get3A_450 {offsets = [0, 75000], sizes = [1, 12500], strides = [1, 1]} : vector<1x100000xf32> to vector<1x12500xf32>
    %slice3A_457 = vector.extract_strided_slice %get3A_450 {offsets = [0, 87500], sizes = [1, 12500], strides = [1, 1]} : vector<1x100000xf32> to vector<1x12500xf32>
    %concatenate3A = tpu.concatenate %slice3A, %slice3A_451, %slice3A_452, %slice3A_453, %slice3A_454, %slice3A_455, %slice3A_456, %slice3A_457 in 0 : vector<1x12500xf32>, vector<1x12500xf32>, vector<1x12500xf32>, vector<1x12500xf32>, vector<1x12500xf32>, vector<1x12500xf32>, vector<1x12500xf32>, vector<1x12500xf32> -> vector<8x12500xf32>
    %reduce_max3A = vector.shape_cast %concatenate3A : vector<8x12500xf32> to vector<1x8x12500xf32>
    %reduce_max3A_458 = arith.constant dense<0xFF800000> : vector<1xf32>
    %reduce_max3A_459 = vector.multi_reduction <maximumf>, %reduce_max3A, %reduce_max3A_458 [1, 2] : vector<1x8x12500xf32> to vector<1xf32>
    %reduce_max3A_460 = vector.shape_cast %reduce_max3A_459 : vector<1xf32> to vector<1x1x1xf32>
    %reduce_max3A_461 = vector.extract %reduce_max3A_460[0, 0, 0] : f32 from vector<1x1x1xf32>
    %log3A = math.log %max3A_447 : vector<8x12500xf32>
    %neg3A = arith.constant 0.000000e+00 : f32
    %neg3A_462 = vector.broadcast %neg3A : f32 to vector<8x12500xf32>
    %neg3A_463 = arith.subf %neg3A_462, %log3A : vector<8x12500xf32>
    %sub3A_464 = vector.broadcast %reduce_max3A_461 : f32 to vector<8x12500xf32>
    %sub3A_465 = arith.subf %sub3A_464, %concatenate3A : vector<8x12500xf32>
    %exp3A = math.exp %sub3A_465 : vector<8x12500xf32>
    %mul3A_466 = arith.mulf %neg3A_463, %exp3A : vector<8x12500xf32>
    %reduce_min3A = vector.shape_cast %mul3A_466 : vector<8x12500xf32> to vector<1x8x12500xf32>
    %reduce_min3A_467 = arith.constant dense<0x7F800000> : vector<1xf32>
    %reduce_min3A_468 = vector.multi_reduction <minimumf>, %reduce_min3A, %reduce_min3A_467 [1, 2] : vector<1x8x12500xf32> to vector<1xf32>
    %reduce_min3A_469 = vector.shape_cast %reduce_min3A_468 : vector<1xf32> to vector<1x1x1xf32>
    %reduce_min3A_470 = vector.extract %reduce_min3A_469[0, 0, 0] : f32 from vector<1x1x1xf32>
    %eq3A = vector.broadcast %reduce_min3A_470 : f32 to vector<8x12500xf32>
    %eq3A_471 = arith.cmpf oeq, %mul3A_466, %eq3A : vector<8x12500xf32>
    %jit3A_472 = arith.constant 100000 : i32
    %broadcast_in_dim3A_473 = vector.broadcast %jit3A_472 : i32 to vector<8x12500xi32>
    %select_n3A_474 = arith.select %eq3A_471, %add3A_207, %broadcast_in_dim3A_473 : vector<8x12500xi1>, vector<8x12500xi32>
    %reduce_min3A_475 = vector.shape_cast %select_n3A_474 : vector<8x12500xi32> to vector<1x8x12500xi32>
    %reduce_min3A_476 = arith.constant dense<2147483647> : vector<1xi32>
    %reduce_min3A_477 = vector.multi_reduction <minsi>, %reduce_min3A_475, %reduce_min3A_476 [1, 2] : vector<1x8x12500xi32> to vector<1xi32>
    %reduce_min3A_478 = vector.shape_cast %reduce_min3A_477 : vector<1xi32> to vector<1x1x1xi32>
    %reduce_min3A_479 = vector.extract %reduce_min3A_478[0, 0, 0] : i32 from vector<1x1x1xi32>
    %iota3A_480 = tpu.iota {dimensions = array<i32: 1>} : vector<1x100000xi32>
    %eq3A_481 = vector.broadcast %reduce_min3A_479 : i32 to vector<1x100000xi32>
    %eq3A_482 = arith.cmpi eq, %iota3A_480, %eq3A_481 : vector<1x100000xi32>
    %jit3A_483 = arith.constant 1.000000e+05 : f32
    %jit3A_484 = arith.constant -1.000000e+05 : f32
    %broadcast_in_dim3A_485 = vector.broadcast %jit3A_483 : f32 to vector<1x100000xf32>
    %broadcast_in_dim3A_486 = vector.broadcast %jit3A_484 : f32 to vector<1x100000xf32>
    %select_n3A_487 = arith.select %eq3A_482, %broadcast_in_dim3A_485, %broadcast_in_dim3A_486 : vector<1x100000xi1>, vector<1x100000xf32>
    %swap3A = arith.constant 0 : index
    %swap3A_488 = arith.constant 0 : index
    %swap3A_489 = vector.load %arg3[%swap3A, %swap3A_488] : memref<1x100000xf32, #tpu.memory_space<vmem>>, vector<1x100000xf32>
    tpu.vector_store %arg3[%swap3A, %swap3A_488], %select_n3A_487 {strides = array<i32>} : memref<1x100000xf32, #tpu.memory_space<vmem>>, vector<1x100000xf32>,
    return
  }
}

</mosaic_0001>

<sc_bundles>
// kernel: kernel.4.cloned.1.call-start
scs
__scs_entry_jumppad:
0x0: {  	(pc) =	sbr.rel $0x88, $3  }
0x1: {  	(tag) =	ssettag $0x0;
	lr =	simm.s32 $0x1  }
0x2: {  	[smem:$0x3F9E] =	sst lr;
	_ =	strace $0xD0000000  }
0x3: {  	_ = 	snop  }
0x4: {  	_ = 	snop  }
0x5: {  	_ = 	snop  }
0x6: {  	_ = 	snop  }
0x7: {  	_ = 	snop  }
__scs_overlays_trampoline_lowered:
0x8: {  	[smem:$0x3FAD] =	sst s0  }
0x9: {  	[smem:$0x3FAE] =	sst s1  }
0xa: {  	[smem:$0x3FAF] =	sst s2  }
0xb: {  	[smem:$0x3FB0] =	sst s3  }
0xc: {  	[smem:$0x3FB1] =	sst s4  }
0xd: {  	[smem:$0x3FB2] =	sst s5  }
0xe: {  	[smem:$0x3FB3] =	sst s6  }
0xf: {  	[smem:$0x3FB4] =	sst s7  }
0x10: {  	[smem:$0x3FB5] =	sst s8  }
0x11: {  	[smem:$0x3FB6] =	sst s9;
	s0 =	simm.s32 @!p0 $0x0  }
0x12: {  	s1 =	sld [smem:$0x3F9C];
	s0 =	simm.s32 @p0 $0x1  }
0x13: {  	[smem:$0x3FB7] =	sst s0;
	s0 =	simm.s32 @!p1 $0x0  }
0x14: {  	s2 =	sld [smem:$0x3F9B];
	s0 =	simm.s32 @p1 $0x1  }
0x15: {  	[smem:$0x3FB8] =	sst s0;
	s0 =	simm.s32 @!p2 $0x0  }
0x16: {  	s3 =	sld [smem:$0x3FDB];
	s0 =	simm.s32 @p2 $0x1  }
0x17: {  	s4 =	simm.s32 $0x1BF5;
	[smem:$0x3FBA] =	sst s0  }
0x18: {  	s0 =	sld [smem:$0x3F9D];
	_ =	swait.ge [sflag:s4], $0x0  }
0x19: {  	s7 =	sld [smem:$0x3F9E]  }
0x1a: {  	s8 =	sadd.s32 $0xFFFFE003, lr  }
0x1b: {  	s9 =	sadd.s32 $0xFFFFFEF7, lr;
	s5 =	simm.s32 $0xFFFFFFFF;
	p2 =	slt.u32 s8, $0xFFFFF086  }
0x1c: {  	p1 =	slt.u32 s9, $0xF7A;
	s5 =	simm.s32 @!p2 $0x0  }
0x1d: {  	s5 =	simm.s32 @p1 $0x1;
	p0 =	seq.s32 s7, s2  }
0x1e: {  	s7 =	smul.u32 @!p0 $0xF7A, s2;
	p2 =	seq.s32 @!p0 s5, $0x0  }
0x1f: {  	s9 =	smul.u32 $0xF7A, s1;
	s8 =	simm.s32 @!p0 $0x1BF5;
	p2 =	por !p2, p0  }
0x20: {  	[sflag:s8] =	ssyncset.s32 @!p0 $0xFFFFF086;
	s6 =	sadd.s32 @!p0 s3, s7;
	s7 =	simm.s32 @!p0 $0x108  }
0x21: {  	s3 =	sadd.s32 s3, s9;
	s6 =	sadd.s32 @!p0 $0x88, s6;
	s7 =	simm.s32 @p2 $0x1082  }
0x22: {  	[simem:s7], [sflag:s8] =	dma.local @!p0 [hbm:s6], $0xF7A  }
0x23: {  	s9 =	sor.u32 $0xD0000000, s2;
	s6 =	simm.s32 $0x108;
	_ =	swait.ge @!p0 [sflag:s8], $0x0  }
0x24: {  	s3 =	sadd.s32 $0x88, s3;
	s6 =	simm.s32 @!p1 $0x1082;
	[sflag:s4] =	ssyncset.s32 $0xFFFFF086  }
0x25: {  	[simem:s6], [sflag:s4] =	dma.local [hbm:s3], $0xF7A  }
0x26: {  	[smem:$0x3F9E] =	sst s1;
	(tag) =	ssettag s2;
	_ =	strace s9  }
0x27: {  	s1 =	sld [smem:$0x3FAE]  }
0x28: {  	s2 =	sld [smem:$0x3FAF]  }
0x29: {  	s4 =	sld [smem:$0x3FB1]  }
0x2a: {  	p0 =	seq.s32 s5, $0x0;
	s5 =	sld [smem:$0x3FB2]  }
0x2b: {  	s6 =	sld [smem:$0x3FB3]  }
0x2c: {  	s7 =	sld [smem:$0x3FB4]  }
0x2d: {  	s3 =	simm.s32 $0x108;
	s8 =	sld [smem:$0x3FB5]  }
0x2e: {  	s3 =	simm.s32 @!p0 $0x1082;
	s9 =	sld [smem:$0x3FB6]  }
0x2f: {  	lr =	sadd.s32 s0, s3;
	s0 =	sld [smem:$0x3FAD]  }
0x30: {  	s3 =	sld [smem:$0x3FB0]  }
0x31: {  	[smem:$0x3FB9] =	sst s10  }
0x32: {  	s10 =	sld [smem:$0x3FB7];
	_ =	sdelay $0x3  }
0x33: {  	p0 =	seq.s32 s10, $0x1;
	s10 =	sld [smem:$0x3FB9];
	_ =	sdelay $0x3  }
0x34: {  	[smem:$0x3FB9] =	sst s10  }
0x35: {  	s10 =	sld [smem:$0x3FB8];
	_ =	sdelay $0x3  }
0x36: {  	p1 =	seq.s32 s10, $0x1;
	s10 =	sld [smem:$0x3FB9];
	_ =	sdelay $0x3  }
0x37: {  	[smem:$0x3FB9] =	sst s10  }
0x38: {  	s10 =	sld [smem:$0x3FBA]  }
0x39: {  	_ = 	snop;
	(pc) =	sbr.ind lr, $3  }
0x3a: {  	_ = 	snop  }
0x3b: {  	_ = 	snop  }
0x3c: {  	p2 =	seq.s32 s10, $0x1;
	s10 =	sld [smem:$0x3FB9]  }
0x3d: {  	_ =	shalt  }
0x3e: {  	_ =	shalt  }
0x3f: {  	_ =	shalt  }
0x40: {  	_ =	shalt  }
0x41: {  	_ =	shalt  }
0x42: {  	_ =	shalt  }
0x43: {  	_ =	shalt  }
0x44: {  	_ =	shalt  }
0x45: {  	_ =	shalt  }
0x46: {  	_ =	shalt  }
0x47: {  	_ =	shalt  }
0x48: {  	_ =	shalt  }
0x49: {  	_ =	shalt  }
0x4a: {  	_ =	shalt  }
0x4b: {  	_ =	shalt  }
0x4c: {  	_ =	shalt  }
0x4d: {  	_ =	shalt  }
0x4e: {  	_ =	shalt  }
0x4f: {  	_ =	shalt  }
0x50: {  	_ =	shalt  }
0x51: {  	_ =	shalt  }
0x52: {  	_ =	shalt  }
0x53: {  	_ =	shalt  }
0x54: {  	_ =	shalt  }
0x55: {  	_ =	shalt  }
0x56: {  	_ =	shalt  }
0x57: {  	_ =	shalt  }
0x58: {  	_ =	shalt  }
0x59: {  	_ =	shalt  }
0x5a: {  	_ =	shalt  }
0x5b: {  	_ =	shalt  }
0x5c: {  	_ =	shalt  }
0x5d: {  	_ =	shalt  }
0x5e: {  	_ =	shalt  }
0x5f: {  	_ =	shalt  }
0x60: {  	_ =	shalt  }
0x61: {  	_ =	shalt  }
0x62: {  	_ =	shalt  }
0x63: {  	_ =	shalt  }
0x64: {  	_ =	shalt  }
0x65: {  	_ =	shalt  }
0x66: {  	_ =	shalt  }
0x67: {  	_ =	shalt  }
0x68: {  	_ =	shalt  }
0x69: {  	_ =	shalt  }
0x6a: {  	_ =	shalt  }
0x6b: {  	_ =	shalt  }
0x6c: {  	_ =	shalt  }
0x6d: {  	_ =	shalt  }
0x6e: {  	_ =	shalt  }
0x6f: {  	_ =	shalt  }
0x70: {  	_ =	shalt  }
0x71: {  	_ =	shalt  }
0x72: {  	_ =	shalt  }
0x73: {  	_ =	shalt  }
0x74: {  	_ =	shalt  }
0x75: {  	_ =	shalt  }
0x76: {  	_ =	shalt  }
0x77: {  	_ =	shalt  }
0x78: {  	_ =	shalt  }
0x79: {  	_ =	shalt  }
0x7a: {  	_ =	shalt  }
0x7b: {  	_ =	shalt  }
0x7c: {  	_ =	shalt  }
0x7d: {  	_ =	shalt  }
0x7e: {  	_ =	shalt  }
0x7f: {  	_ =	shalt  }
0x80: {  	_ =	shalt  }
0x81: {  	_ =	shalt  }
0x82: {  	_ =	shalt  }
0x83: {  	_ =	shalt  }
0x84: {  	_ =	shalt  }
0x85: {  	_ =	shalt  }
0x86: {  	_ =	shalt  }
0x87: {  	_ =	shalt  }
.Lfunc_end0:
.L_simem_size_0:
called_computation_lowered:
.L_overlay_start_0:
0x88: {  	s2 =	sld [smem:$0x3FD9]  }
0x89: {  	s3 =	sld [smem:$0x3FFE];
	_ =	sdelay $0x1  }
0x8a: {  	s1 =	srdreg.scid  }
0x8b: {  	s0 =	sand.u32 $0x1, s1  }
0x8c: {  	s18 =	sshll.u32 s0, $0xA;
	s2 =	sadd.s32 s3, s2  }
0x8d: {  	s2 =	sadd.s32 s2, s18  }
0x8e: {  	[smem:$0x3FC5] =	sst s2  }
0x8f: {  	_ = 	snop  }
0x90: {  	s2 =	sld [smem:$0x3FC9]  }
0x91: {  	s19 =	sld [smem:$0x3FC7]  }
0x92: {  	s4 =	sld [smem:$0x3FD0];
	(tm) =	ssettm $0x1  }
0x93: {  	s5 =	sld [smem:$0x3FFB];
	_ =	sdelay $0x3  }
0x94: {  	_ =	strace s5  }
0x95: {  	s5 =	sld [smem:$0x3FFC];
	_ =	sdelay $0x3  }
0x96: {  	_ =	strace s5  }
0x97: {  	s5 =	sld [smem:$0x3FFD];
	_ =	sdelay $0x3  }
0x98: {  	_ =	strace s5  }
0x99: {  	_ =	strace $0x8FFFFFFF  }
0x9a: {  	s20 =	sld [smem:$0x3FDB];
	_ =	sdelay $0x1  }
0x9b: {  	s6 =	simm.s32 $_scs_section_size  }
0x9c: {  	s7 =	simm.s32 $_size__tile_overlayer_lowered;
	s8 =	simm.s32 $_tile_overlayer_lowered  }
0x9d: {  	s23 =	simm.s32 $0x1BFF;
	s22 =	sshll.u32 s8, $0x1;
	s5 =	sadd.s32 s6, s20  }
0x9e: {  	s9 =	simm.s32 $0x0;
	s21 =	sshll.u32 s7, $0x1;
	s7 =	sadd.s32 s22, s5  }
0x9f: {  	[timem:s9], [sflag:s23] =	dma.local [hbm:s7], s21  }
0xa0: {  	_ =	swait.ge [sflag:s23], s21  }
0xa1: {  	s6 =	ssub.s32 $0x0, s21;
	[sflag:s23] =	ssyncset.done $0x0  }
0xa2: {  	[sflag:s23] =	ssyncadd.s32 s6;
	_ =	sdelay $0x1  }
0xa3: {  	s24 =	simm.s32 $0x1B8B  }
0xa4: {  	_ =	swait.ge [sflag:s24], $0x1  }
0xa5: {  	[sflag:s24] =	ssyncset.done $0x0  }
0xa6: {  	s25 =	simm.s32 $0x1B8E;
	[sflag:s24] =	ssyncadd.s32 $0xFFFFFFFF  }
0xa7: {  	s26 =	simm.s32 $execute0_lowered;
	[smem:$0x3FD2] =	sst s25  }
0xa8: {  	s6 =	sshll.u32 s26, $0x1;
	_ =	strace $0x80000046;
	[dreg:$0x1] =	wrdreg $0xFFFFFFFF  }
0xa9: {  	s28 =	simm.s32 $_size_execute0_lowered;
	s5 =	sadd.s32 s5, s6;
	[dreg:$0x0] =	wrdreg $0x0  }
0xaa: {  	s6 =	sshll.u32 s28, $0x1;
	[dreg:$0x2] =	wrdreg s5  }
0xab: {  	[dreg:$0x3] =	wrdreg s6  }
0xac: {  	[dreg:$0x4] =	wrdreg $0xC0  }
0xad: {  	_ =	task [dreg:s9], $0x5FFFF  }
0xae: {  	[dreg:$0x1] =	wrdreg $0xFFFFFFFF  }
0xaf: {  	[dreg:$0x0] =	wrdreg $0x60  }
0xb0: {  	[dreg:$0x2] =	wrdreg s2  }
0xb1: {  	[dreg:$0x3] =	wrdreg s19  }
0xb2: {  	[dreg:$0x4] =	wrdreg s4  }
0xb3: {  	[dreg:$0x5] =	wrdreg $0x9  }
0xb4: {  	_ =	task.clear_ibuf [dreg:s9], $0x6FFFF;
	_ =	strace $0x90000046  }
0xb5: {  	s29 =	simm.s32 $0x9;
	_ =	strace $0x80000048  }
0xb6: {  	_ =	swait.ge [sflag:s29], $0x1  }
0xb7: {  	[sflag:s29] =	ssyncadd.s32 $0xFFFFFFFF  }
0xb8: {  	_ =	strace $0x90000048  }
0xb9: {  	_ =	sfence  }
0xba: {  	s30 =	sld [smem:$0x0];
	_ =	sdelay $0x2  }
0xbb: {  	s31 =	sshll.u32 s1, $0xD;
	s1 =	sshrl.u32 s1, $0x2  }
0xbc: {  	s3 =	sand.u32 $0x4000, s31;
	s1 =	sadd.s32 s1, s30  }
0xbd: {  	s0 =	sor.u32 s3, s0;
	s1 =	sshll.u32 s1, $0x11  }
0xbe: {  	s0 =	sor.u32 s1, s0  }
0xbf: {  	s0 =	sadd.s32 $0x8F2B, s0  }
0xc0: {  	[sflag:s0] =	ssyncadd.remote.s32 $0x1  }
0xc1: {  	_ =	sfence.sel $0xFFFF  }
0xc2: {  	[dreg:$0x0] =	wrdreg $0xFFFFFFFF;
	(pc) =	sbr.abs _section_cstart, $3  }
0xc3: {  	[dreg:$0x1] =	wrdreg $0xFFFFFFFF  }
0xc4: {  	_ =	task.clear_ibuf [dreg:s9], $0x2FFFF;
	_ =	strace $0x9FFFFFFF  }
0xc5: {  	(tm) =	ssettm $0x7FFFFFFF  }
tec
execute0_lowered:
.L_overlay_start_1:
0x0: {  	(tag) =	ssettag $0x1  }
0x1: {  	s1 =	srdreg.scid  }
0x2: {  	s31 =	sand.u32 $0x1, s1;
	s1 =	stileid.u32  }
0x3: {  	s5 =	sshll.u32 s1, $0x1;
	s6 =	ssub.s32 $0x0, s31  }
0x4: {  	s4 =	rddreg [dreg:$0x0];
	p0 =	sne.s32 s5, s6  }
.Ltmp0:
0x5: {  	s2 =	rddreg [dreg:$0x1];
	(pc) =	sbr.rel @p0 .LBB2_4-.Ltmp0, $4  }
0x6: {  	s0 =	rddreg [dreg:$0x2]  }
0x7: {  	s3 =	simm.s32 $0x0;
	[dreg:$0x4] =	wrdreg s0  }
0x8: {  	[smem:$0x7FF] =	sst s3  }
0x9: {  	s0 =	rddreg [dreg:$0x3];
	_ =	strace $0x80000047  }
0xa: {  	s5 =	sadd.s32 $0xFE, s4;
	s4 =	simm.s32 $0x2  }
0xb: {  	[tilespmem:s3], [sflag:$0x2] =	stream.linear.gather [hbm4b:s5+s3], $0x10, $0x38;
	[tilespmem:$0x8080] =	vst v63  }
0xc: {  	_ =	swait.ge [sflag:s4], $0x10  }
0xd: {  	[sflag:s4] =	ssyncset.done $0x0  }
0xe: {  	[sflag:s4] =	ssyncadd.s32 $0xFFFFFFF0  }
0xf: {  	v0 =	vld [tilespmem:$0x0];
	_ =	sdelay $0x4  }
0x10: {  	v1 =	vshll.u32 v0, $0x4  }
0x11: {  	v2 =	vlaneseq.u32;
	v3 =	vand.u32 $0x7, v0;
	v1 =	vand.u32 $0xFFFFFF80, v1  }
0x12: {  	v4 =	vshrl.u32 v2, $0x3;
	v0 =	vand.u32 $0x7, v2;
	v3 =	vor.u32 v3, v1  }
0x13: {  	v1 =	vmul.u32 $0x8, v4;
	v63 =	vperm.xlane v3, v0;
	_ =	sdelay $0x1  }
0x14: {  	v4 =	vadd.s32 v1, v63;
	_ =	sdelay $0x3  }
0x15: {  	vm0 =	vmmov $0xffff;
	s6 =	simm.s32 $0x80  }
0x16: {  	[tilespmem:s6], [sflag:$0x1] =	stream.indirect_vreg.gather [hbm4b:s2+s3], $0x80, v4, vm0, $0xb8;
	[tilespmem:$0x8080] =	vst v63  }
0x17: {  	s7 =	sadd.s32 $0x100, s2;
	s8 =	simm.s32 $0x880  }
0x18: {  	[tilespmem:s8], [sflag:$0x1] =	stream.indirect_vreg.gather [hbm4b:s7+s3], $0x80, v4, vm0, $0xb8;
	[tilespmem:$0x8080] =	vst v63  }
0x19: {  	s9 =	sadd.s32 $0x200, s2;
	s10 =	simm.s32 $0x1080  }
0x1a: {  	[tilespmem:s10], [sflag:$0x1] =	stream.indirect_vreg.gather [hbm4b:s9+s3], $0x80, v4, vm0, $0xb8;
	[tilespmem:$0x8080] =	vst v63  }
0x1b: {  	s11 =	sadd.s32 $0x300, s2;
	s12 =	simm.s32 $0x1880  }
0x1c: {  	[tilespmem:s12], [sflag:$0x1] =	stream.indirect_vreg.gather [hbm4b:s11+s3], $0x80, v4, vm0, $0xb8;
	[tilespmem:$0x8080] =	vst v63  }
0x1d: {  	s13 =	sadd.s32 $0x400, s2;
	s14 =	simm.s32 $0x2080  }
0x1e: {  	v2 =	vor.u32 $0x8, v2;
	[tilespmem:s14], [sflag:$0x1] =	stream.indirect_vreg.gather [hbm4b:s13+s3], $0x80, v4, vm0, $0xb8;
	[tilespmem:$0x8080] =	vst v63  }
0x1f: {  	s15 =	sadd.s32 $0x500, s2;
	s16 =	simm.s32 $0x2880;
	v3 =	vperm.xlane v3, v2  }
0x20: {  	[tilespmem:s16], [sflag:$0x1] =	stream.indirect_vreg.gather [hbm4b:s15+s3], $0x80, v4, vm0, $0xb8;
	[tilespmem:$0x8080] =	vst v63  }
0x21: {  	s17 =	sadd.s32 $0x600, s2;
	s18 =	simm.s32 $0x3080;
	v3 =	vadd.s32 v1, v3  }
0x22: {  	[tilespmem:s18], [sflag:$0x1] =	stream.indirect_vreg.gather [hbm4b:s17+s3], $0x80, v4, vm0, $0xb8;
	[tilespmem:$0x8080] =	vst v63  }
0x23: {  	s19 =	sadd.s32 $0x700, s2;
	s20 =	simm.s32 $0x3880  }
0x24: {  	[tilespmem:s20], [sflag:$0x1] =	stream.indirect_vreg.gather [hbm4b:s19+s3], $0x80, v4, vm0, $0xb8;
	[tilespmem:$0x8080] =	vst v63  }
0x25: {  	s21 =	simm.s32 $0x4080  }
0x26: {  	[tilespmem:s21], [sflag:$0x1] =	stream.indirect_vreg.gather [hbm4b:s2+s3], $0x80, v3, vm0, $0xb8;
	[tilespmem:$0x8080] =	vst v63  }
0x27: {  	s22 =	simm.s32 $0x4880  }
0x28: {  	[tilespmem:s22], [sflag:$0x1] =	stream.indirect_vreg.gather [hbm4b:s7+s3], $0x80, v3, vm0, $0xb8;
	[tilespmem:$0x8080] =	vst v63  }
0x29: {  	s23 =	simm.s32 $0x5080  }
0x2a: {  	[tilespmem:s23], [sflag:$0x1] =	stream.indirect_vreg.gather [hbm4b:s9+s3], $0x80, v3, vm0, $0xb8;
	[tilespmem:$0x8080] =	vst v63  }
0x2b: {  	s24 =	simm.s32 $0x5880  }
0x2c: {  	[tilespmem:s24], [sflag:$0x1] =	stream.indirect_vreg.gather [hbm4b:s11+s3], $0x80, v3, vm0, $0xb8;
	[tilespmem:$0x8080] =	vst v63  }
0x2d: {  	s25 =	simm.s32 $0x6080;
	s31 =	ssub.s32 $0x2, s31  }
0x2e: {  	[tilespmem:s25], [sflag:$0x1] =	stream.indirect_vreg.gather [hbm4b:s13+s3], $0x80, v3, vm0, $0xb8;
	[tilespmem:$0x8080] =	vst v63  }
0x2f: {  	s26 =	simm.s32 $0x6880;
	s1 =	sshrl.u32 s31, $0x1  }
0x30: {  	[tilespmem:s26], [sflag:$0x1] =	stream.indirect_vreg.gather [hbm4b:s15+s3], $0x80, v3, vm0, $0xb8;
	[tilespmem:$0x8080] =	vst v63  }
0x31: {  	s28 =	simm.s32 $0x7080;
	s1 =	ssub.s32 s31, s1  }
0x32: {  	[tilespmem:s28], [sflag:$0x1] =	stream.indirect_vreg.gather [hbm4b:s17+s3], $0x80, v3, vm0, $0xb8;
	[tilespmem:$0x8080] =	vst v63  }
0x33: {  	s29 =	simm.s32 $0x7880;
	s30 =	simm.s32 $0x1;
	s1 =	smax.u32 s1, $0x1  }
0x34: {  	[tilespmem:s29], [sflag:$0x1] =	stream.indirect_vreg.gather [hbm4b:s19+s3], $0x80, v3, vm0, $0xb8;
	[tilespmem:$0x8080] =	vst v63  }
0x35: {  	p0 =	sne.s32 s1, $0x1;
	_ =	swait.ge [sflag:s30], $0x8000  }
.Ltmp1:
0x36: {  	[sflag:s30] =	ssyncset.done $0x0;
	(pc) =	sbr.rel @!p0 .LBB2_3-.Ltmp1, $4  }
0x37: {  	s0 =	rddreg [dreg:$0x4];
	[sflag:s30] =	ssyncadd.s32 $0xFFFF8000  }
0x38: {  	[hbm4b:s0+s3] =	stream.linear.scatter [tilespmem:s6], [sflag:$0x2], $0x8000, $0x38;
	[tilespmem:$0x8080] =	vst v63  }
0x39: {  	_ =	swait.ge [sflag:s4], $0x8000  }
0x3a: {  	s31 =	sadd.s32 $0xFFFFFFFF, s1;
	[sflag:s4] =	ssyncset.done $0x0  }
.LBB2_2:
0x3b: {  	[sflag:s4] =	ssyncadd.s32 $0xFFFF8000  }
0x3c: {  	[tilespmem:s3], [sflag:$0x2] =	stream.linear.gather [hbm4b:s5+s3], $0x10, $0x38;
	[tilespmem:$0x8080] =	vst v63  }
0x3d: {  	_ =	swait.ge [sflag:s4], $0x10  }
0x3e: {  	[sflag:s4] =	ssyncset.done $0x0  }
0x3f: {  	[sflag:s4] =	ssyncadd.s32 $0xFFFFFFF0  }
0x40: {  	v3 =	vld [tilespmem:$0x0];
	_ =	sdelay $0x4  }
0x41: {  	v4 =	vshll.u32 v3, $0x4  }
0x42: {  	v3 =	vand.u32 $0x7, v3;
	v4 =	vand.u32 $0xFFFFFF80, v4  }
0x43: {  	v3 =	vor.u32 v3, v4  }
0x44: {  	v4 =	vperm.xlane v3, v0;
	_ =	sdelay $0x1  }
0x45: {  	v4 =	vadd.s32 v1, v4;
	_ =	sdelay $0x4  }
0x46: {  	[tilespmem:s6], [sflag:$0x1] =	stream.indirect_vreg.gather [hbm4b:s2+s3], $0x80, v4, vm0, $0xb8;
	[tilespmem:$0x8080] =	vst v63  }
0x47: {  	_ = 	snop  }
0x48: {  	[tilespmem:s8], [sflag:$0x1] =	stream.indirect_vreg.gather [hbm4b:s7+s3], $0x80, v4, vm0, $0xb8;
	[tilespmem:$0x8080] =	vst v63  }
0x49: {  	_ = 	snop  }
0x4a: {  	[tilespmem:s10], [sflag:$0x1] =	stream.indirect_vreg.gather [hbm4b:s9+s3], $0x80, v4, vm0, $0xb8;
	[tilespmem:$0x8080] =	vst v63  }
0x4b: {  	_ = 	snop  }
0x4c: {  	[tilespmem:s12], [sflag:$0x1] =	stream.indirect_vreg.gather [hbm4b:s11+s3], $0x80, v4, vm0, $0xb8;
	[tilespmem:$0x8080] =	vst v63  }
0x4d: {  	_ = 	snop  }
0x4e: {  	[tilespmem:s14], [sflag:$0x1] =	stream.indirect_vreg.gather [hbm4b:s13+s3], $0x80, v4, vm0, $0xb8;
	[tilespmem:$0x8080] =	vst v63  }
0x4f: {  	v3 =	vperm.xlane v3, v2  }
0x50: {  	[tilespmem:s16], [sflag:$0x1] =	stream.indirect_vreg.gather [hbm4b:s15+s3], $0x80, v4, vm0, $0xb8;
	[tilespmem:$0x8080] =	vst v63  }
0x51: {  	v3 =	vadd.s32 v1, v3  }
0x52: {  	[tilespmem:s18], [sflag:$0x1] =	stream.indirect_vreg.gather [hbm4b:s17+s3], $0x80, v4, vm0, $0xb8;
	[tilespmem:$0x8080] =	vst v63  }
0x53: {  	_ = 	snop  }
0x54: {  	[tilespmem:s20], [sflag:$0x1] =	stream.indirect_vreg.gather [hbm4b:s19+s3], $0x80, v4, vm0, $0xb8;
	[tilespmem:$0x8080] =	vst v63  }
0x55: {  	_ = 	snop  }
0x56: {  	[tilespmem:s21], [sflag:$0x1] =	stream.indirect_vreg.gather [hbm4b:s2+s3], $0x80, v3, vm0, $0xb8;
	[tilespmem:$0x8080] =	vst v63  }
0x57: {  	_ = 	snop  }
0x58: {  	[tilespmem:s22], [sflag:$0x1] =	stream.indirect_vreg.gather [hbm4b:s7+s3], $0x80, v3, vm0, $0xb8;
	[tilespmem:$0x8080] =	vst v63  }
0x59: {  	_ = 	snop  }
0x5a: {  	[tilespmem:s23], [sflag:$0x1] =	stream.indirect_vreg.gather [hbm4b:s9+s3], $0x80, v3, vm0, $0xb8;
	[tilespmem:$0x8080] =	vst v63  }
0x5b: {  	_ = 	snop  }
0x5c: {  	[tilespmem:s24], [sflag:$0x1] =	stream.indirect_vreg.gather [hbm4b:s11+s3], $0x80, v3, vm0, $0xb8;
	[tilespmem:$0x8080] =	vst v63  }
0x5d: {  	_ = 	snop  }
0x5e: {  	[tilespmem:s25], [sflag:$0x1] =	stream.indirect_vreg.gather [hbm4b:s13+s3], $0x80, v3, vm0, $0xb8;
	[tilespmem:$0x8080] =	vst v63  }
0x5f: {  	_ = 	snop  }
0x60: {  	[tilespmem:s26], [sflag:$0x1] =	stream.indirect_vreg.gather [hbm4b:s15+s3], $0x80, v3, vm0, $0xb8;
	[tilespmem:$0x8080] =	vst v63  }
0x61: {  	_ = 	snop  }
0x62: {  	[tilespmem:s28], [sflag:$0x1] =	stream.indirect_vreg.gather [hbm4b:s17+s3], $0x80, v3, vm0, $0xb8;
	[tilespmem:$0x8080] =	vst v63  }
0x63: {  	_ = 	snop  }
0x64: {  	[tilespmem:s29], [sflag:$0x1] =	stream.indirect_vreg.gather [hbm4b:s19+s3], $0x80, v3, vm0, $0xb8;
	[tilespmem:$0x8080] =	vst v63  }
0x65: {  	p0 =	sne.s32 s31, $0x1;
	_ =	swait.ge [sflag:s30], $0x8000  }
.Ltmp2:
0x66: {  	[sflag:s30] =	ssyncset.done $0x0;
	(pc) =	sbr.rel @p0 .LBB2_2-.Ltmp2, $4  }
0x67: {  	s0 =	rddreg [dreg:$0x4];
	[sflag:s30] =	ssyncadd.s32 $0xFFFF8000  }
0x68: {  	[hbm4b:s0+s3] =	stream.linear.scatter [tilespmem:s6], [sflag:$0x2], $0x8000, $0x38;
	[tilespmem:$0x8080] =	vst v63  }
0x69: {  	_ =	swait.ge [sflag:s4], $0x8000  }
0x6a: {  	s31 =	sadd.s32 $0xFFFFFFFF, s31;
	[sflag:s4] =	ssyncset.done $0x0  }
.LBB2_3:
0x6b: {  	[sflag:s4] =	ssyncadd.s32 $0xFFFF8000  }
0x6c: {  	s1 =	stileid.u32;
	s0 =	rddreg [dreg:$0x3]  }
.LBB2_4:
0x6d: {  	_ =	sfence.sel $0x180000  }
0x6e: {  	[bflag:$0x0] =	sbarrier.arrive $0xFFFF  }
0x6f: {  	p0 =	sne.s32 s1, $0x0;
	_ =	strace $0x90000047  }
0x70: {  	s0 =	sadd.s32 @!p0 $0x100000, s0;
	[bflag:$0x2] =	sbarrier.arrive $0xFFFF  }
0x71: {  	[sflag:s0] =	ssyncadd.tile.s32 @!p0 $0x1;
	_ =	shalt  }
.Lfunc_end2:
_tile_overlayer_lowered:
.L_overlay_start_2:
0x72: {  	(tag) =	ssettag $0x2  }
0x73: {  	s0 =	rddreg [dreg:$0x0];
	s2 =	stileid.u32  }
0x74: {  	s1 =	rddreg [dreg:$0x1];
	p0 =	sne.s32 s2, $0x0  }
0x75: {  	s3 =	rddreg [dreg:$0x2];
	[bflag:$0x3] =	sbarrier.arrive $0xFFFF;
	s2 =	simm.s32 @!p0 $0x1C02  }
0x76: {  	[timem:s3], [sflag:s2] =	dma.local @!p0 [hbm:s0], s1  }
0x77: {  	s0 =	simm.s32 @!p0 $0x2  }
0x78: {  	_ =	swait.ge @!p0 [sflag:s0], s1  }
0x79: {  	s1 =	ssub.s32 @!p0 $0x0, s1;
	[sflag:s0] =	ssyncset.done @!p0 $0x0  }
0x7a: {  	[sflag:s0] =	ssyncadd.s32 @!p0 s1  }
0x7b: {  	[bflag:$0x3] =	sbarrier.arrive $0xFFFF  }
0x7c: {  	_ =	shalt  }

</sc_bundles>
